<compile_context>
chip_gen: v7x
topology: tpu7x:2x2x1
jax: 0.10.2.dev20260603
libtpu: 0.0.44.dev20260713+nightly
codegen_flags: <defaults>
</compile_context>

<pallas_src>
import functools

import jax
import jax.numpy as jnp
from jax import lax
from jax.experimental import pallas as pl
from jax.experimental.pallas import tpu as pltpu
from jax.experimental.pallas import tpu_sc as plsc

_COMMITMENT_COST = 0.25
_TS = 4096


def _tc_body(x_ref, rs_ref, ws_ref, w2_ref, g_ref, idx_ref):
    x = x_ref[...]
    w2 = w2_ref[...]
    dot2t = jax.lax.dot_general(
        w2, x, (((1,), (1,)), ((), ())), preferred_element_type=jnp.float32
    )
    dist = (rs_ref[0] - dot2t) + ws_ref[...]
    md = jnp.min(dist, axis=0, keepdims=True)
    maskbf = (dist == md).astype(jnp.bfloat16)
    s = jax.lax.dot_general(
        g_ref[...], maskbf, (((0,), (0,)), ((), ())),
        preferred_element_type=jnp.float32,
    )
    e = jax.lax.bitcast_convert_type(s, jnp.int32) >> 23
    giota = jax.lax.broadcasted_iota(jnp.int32, s.shape, 0)
    cand = (16 * giota + 127 - e).astype(jnp.float32)
    cand = jnp.where(s > 0.0, cand, float(dist.shape[0]))
    idxf = jnp.min(cand, axis=0, keepdims=True)
    idx_ref[...] = idxf.astype(jnp.int32).reshape(1, 1, _TS)


def _sc_body(nc, chunk, w_hbm, idx_hbm, x_hbm, qst_hbm, ls_hbm,
             idx_v, rows_v, x_v, ls_v, sem):
    wid = lax.axis_index("s") * nc + lax.axis_index("c")
    sub = chunk // 2
    acc = (jnp.zeros((16,), jnp.float32),) * 4
    for p in range(2):
        base = wid * chunk + p * sub
        pltpu.sync_copy(idx_hbm.at[pl.ds(base, sub)], idx_v)
        pltpu.async_copy(w_hbm.at[idx_v], rows_v, sem).wait()
        pltpu.sync_copy(x_hbm.at[pl.ds(base, sub)], x_v)

        def row(i, a):
            out = []
            for jj in range(4):
                xs = x_v[i, pl.ds(jj * 16, 16)]
                qs = rows_v[i, pl.ds(jj * 16, 16)]
                r = qs - xs
                x_v[i, pl.ds(jj * 16, 16)] = xs + r
                out.append(a[jj] + r * r)
            return tuple(out)

        acc = lax.fori_loop(0, sub, row, acc)
        pltpu.sync_copy(x_v, qst_hbm.at[pl.ds(base, sub)])
    ls_v[...] = ((acc[0] + acc[1]) + (acc[2] + acc[3]))
    pltpu.sync_copy(ls_v, ls_hbm.at[wid])


def kernel(tokens, W):
    B, K, D = tokens.shape
    C = W.shape[0]
    N = B * K
    G = N // _TS
    flat = tokens.reshape(N, D)
    rowsq = jnp.sum(flat ** 2, axis=1, keepdims=True)
    rowsq3 = rowsq.reshape(G, 1, _TS)
    wsq = jnp.sum(W ** 2, axis=1).reshape(C, 1)
    W2 = W * 2.0
    carange = jnp.arange(C)
    gmat = jnp.where(
        (carange[:, None] // 16) == jnp.arange(C // 16)[None, :],
        2.0 ** (-(carange[:, None] % 16)).astype(jnp.float32),
        0.0,
    ).astype(jnp.bfloat16)

    idx3 = pl.pallas_call(
        _tc_body,
        grid=(G,),
        in_specs=[
            pl.BlockSpec((_TS, D), lambda i: (i, 0)),
            pl.BlockSpec((1, 1, _TS), lambda i: (i, 0, 0)),
            pl.BlockSpec((C, 1), lambda i: (0, 0)),
            pl.BlockSpec((C, D), lambda i: (0, 0)),
            pl.BlockSpec((C, C // 16), lambda i: (0, 0)),
        ],
        out_specs=pl.BlockSpec((1, 1, _TS), lambda i: (i, 0, 0)),
        out_shape=jax.ShapeDtypeStruct((G, 1, _TS), jnp.int32),
    )(flat, rowsq3, wsq, W2, gmat)
    idx_flat = idx3.reshape(N)

    info = plsc.get_sparse_core_info()
    nw = info.num_cores * info.num_subcores
    chunk = N // nw
    Wpad = jnp.pad(W, ((0, 0), (0, 128 - D)))
    mesh = plsc.VectorSubcoreMesh(core_axis_name="c", subcore_axis_name="s")
    sc = pl.kernel(
        functools.partial(_sc_body, info.num_cores, chunk),
        mesh=mesh,
        out_type=[
            jax.ShapeDtypeStruct((N, D), jnp.float32),
            jax.ShapeDtypeStruct((nw, 16), jnp.float32),
        ],
        scratch_types=[
            pltpu.VMEM((chunk // 2,), jnp.int32),
            pltpu.VMEM((chunk // 2, 128), jnp.float32),
            pltpu.VMEM((chunk // 2, D), jnp.float32),
            pltpu.VMEM((16,), jnp.float32),
            pltpu.SemaphoreType.DMA,
        ],
    )
    qst, ls = sc(Wpad, idx_flat, flat)

    m = jnp.sum(ls) / (N * D)
    vq_loss = _COMMITMENT_COST * m + m
    return qst.reshape(B, K, D), vq_loss, idx_flat.reshape(B, K)

# --- scband reference (transcript-rebuilt; emitter-appended) ---
"""Pipeline reference for scband-vector-quantizer-592705487401 (READ-ONLY COPY).

The authoritative reference and input builder live on the scoring server;
editing this copy changes nothing except your own understanding.
"""

import jax, jax.numpy as jnp
import numpy as np

NUM_EMBEDDINGS = 1024
EMBEDDING_DIM = 64
COMMITMENT_COST = 0.25


def setup_inputs(seed: int = 0) -> dict:
    key = jax.random.key(seed)
    k1, k2 = jax.random.split(key)
    tokens = jax.random.normal(k1, (16, 1024, 64), dtype=jnp.float32)
    bound = 1.0 / NUM_EMBEDDINGS
    W = jax.random.uniform(k2, (NUM_EMBEDDINGS, EMBEDDING_DIM), dtype=jnp.float32, minval=-bound, maxval=bound)
    return {"tokens": tokens, "W": W}


def reference(tokens, W):
    B, K, D = tokens.shape
    flat = tokens.reshape(-1, D)
    # squared-euclidean distances: ||x||^2 - 2 x W^T + ||w||^2
    dist = (jnp.sum(flat ** 2, axis=1, keepdims=True)
            - 2.0 * flat @ W.T
            + jnp.sum(W ** 2, axis=1))
    idx = jnp.argmin(dist, axis=1)
    q = jnp.take(W, idx, axis=0)
    codebook_loss = jnp.mean((jax.lax.stop_gradient(q) - flat) ** 2)
    commit_loss = jnp.mean((q - jax.lax.stop_gradient(flat)) ** 2)
    vq_loss = COMMITMENT_COST * codebook_loss + commit_loss
    # straight-through estimator
    q_st = flat + jax.lax.stop_gradient(q - flat)
    return (q_st.reshape(B, K, D), vq_loss, idx.reshape(B, K))

if __name__ == "__main__":
    import jax
    _d = setup_inputs()
    print(jax.jit(kernel)(*tuple(_d.values())))

</pallas_src>

<mosaic_0001>
#map = affine_map<(d0, d1) -> (0, 0)>
#map1 = affine_map<(d0, d1) -> (0)>
module attributes {stable_mosaic.version = 14 : i64} {
  func.func @_sc_body(%arg0: i32, %arg1: i32, %arg2: memref<1024x128xf32, #tpu.memory_space<hbm>>, %arg3: memref<16384xi32, #tpu.memory_space<hbm>>, %arg4: memref<16384x64xf32, #tpu.memory_space<hbm>>, %arg5: memref<16384x64xf32, #tpu.memory_space<hbm>>, %arg6: memref<32x16xf32, #tpu.memory_space<hbm>>, %arg7: memref<256xi32, #tpu.memory_space<vmem>>, %arg8: memref<256x128xf32, #tpu.memory_space<vmem>>, %arg9: memref<256x64xf32, #tpu.memory_space<vmem>>, %arg10: memref<16xf32, #tpu.memory_space<vmem>>, %arg11: memref<!tpu.dma_semaphore, #tpu.memory_space<semaphore_mem>>) attributes {dimension_semantics = [#tpu.dimension_semantics<core_parallel>, #tpu.dimension_semantics<subcore_parallel>], iteration_bounds = array<i64: 2, 16>, scalar_prefetch = 0 : i64, scratch_operands = 5 : i64, tpu.core_type = #tpu.core_type<sc_vector_subcore>, window_params = [{transform_indices = #map}, {transform_indices = #map1}, {transform_indices = #map}, {transform_indices = #map}, {transform_indices = #map}]} {
    %mul3A = arith.constant 2 : i32
    %mul3A_0 = arith.muli %arg1, %mul3A : i32
    %add3A = arith.addi %mul3A_0, %arg0 : i32
    %broadcast_in_dim3A = arith.constant 0.000000e+00 : f32
    %broadcast_in_dim3A_1 = vector.broadcast %broadcast_in_dim3A : f32 to vector<16xf32>
    %mul3A_2 = arith.constant 512 : i32
    %mul3A_3 = arith.muli %add3A, %mul3A_2 : i32
    %add3A_4 = arith.constant 0 : i32
    %add3A_5 = arith.addi %mul3A_3, %add3A_4 : i32
    "tpu.region"() ({
      %run_scoped3A = tpu.sem_alloc : memref<!tpu.dma_semaphore, #tpu.memory_space<semaphore_mem>>
      %dma_start3A_37 = tpu.memref_slice %arg3[%add3A_5] : memref<16384xi32, #tpu.memory_space<hbm>> -> memref<256xi32, #tpu.memory_space<hbm>>
      %dma_start3A_38 = tpu.memref_slice %arg3[%add3A_5] : memref<16384xi32, #tpu.memory_space<hbm>> -> memref<256xi32, #tpu.memory_space<hbm>>
      tpu.enqueue_dma source(%dma_start3A_38 : memref<256xi32, #tpu.memory_space<hbm>>) target(%arg7 : memref<256xi32, #tpu.memory_space<vmem>>) target_semaphore(%run_scoped3A : memref<!tpu.dma_semaphore, #tpu.memory_space<semaphore_mem>>)
      %dma_wait3A_39 = tpu.memref_slice %arg3[%add3A_5] : memref<16384xi32, #tpu.memory_space<hbm>> -> memref<256xi32, #tpu.memory_space<hbm>>
      %dma_wait3A_40 = tpu.memref_slice %arg3[%add3A_5] : memref<16384xi32, #tpu.memory_space<hbm>> -> memref<256xi32, #tpu.memory_space<hbm>>
      tpu.wait_dma2 semaphore(%run_scoped3A : memref<!tpu.dma_semaphore, #tpu.memory_space<semaphore_mem>>) src(%dma_wait3A_40 : memref<256xi32, #tpu.memory_space<hbm>>) dst(%arg7 : memref<256xi32, #tpu.memory_space<vmem>>)
      tpu.yield
    }) : () -> ()
    %dma_start3A = arith.constant 0 : i32
    %dma_start3A_6 = arith.constant 0 : i32
    %dma_start3A_7 = tpu.memref_slice %arg2[%dma_start3A, %dma_start3A_6] : memref<1024x128xf32, #tpu.memory_space<hbm>> -> memref<1024x128xf32, #tpu.memory_space<hbm>>
    tpu.enqueue_indirect_dma source(%dma_start3A_7 : memref<1024x128xf32, #tpu.memory_space<hbm>>) target(%arg8 : memref<256x128xf32, #tpu.memory_space<vmem>>) offsets(%arg7 : memref<256xi32, #tpu.memory_space<vmem>>) semaphore(%arg11 : memref<!tpu.dma_semaphore, #tpu.memory_space<semaphore_mem>>)
    %dma_wait3A = arith.constant 0 : i32
    %dma_wait3A_8 = arith.constant 0 : i32
    %dma_wait3A_9 = tpu.memref_slice %arg2[%dma_wait3A, %dma_wait3A_8] : memref<1024x128xf32, #tpu.memory_space<hbm>> -> memref<1024x128xf32, #tpu.memory_space<hbm>>
    tpu.wait_indirect_dma semaphore(%arg11 : memref<!tpu.dma_semaphore, #tpu.memory_space<semaphore_mem>>) src(%dma_wait3A_9 : memref<1024x128xf32, #tpu.memory_space<hbm>>) dst(%arg8 : memref<256x128xf32, #tpu.memory_space<vmem>>)
    "tpu.region"() ({
      %run_scoped3A = tpu.sem_alloc : memref<!tpu.dma_semaphore, #tpu.memory_space<semaphore_mem>>
      %dma_start3A_37 = arith.constant 0 : i32
      %dma_start3A_38 = tpu.memref_slice %arg4[%add3A_5, %dma_start3A_37] : memref<16384x64xf32, #tpu.memory_space<hbm>> -> memref<256x64xf32, #tpu.memory_space<hbm>>
      %dma_start3A_39 = arith.constant 0 : i32
      %dma_start3A_40 = tpu.memref_slice %arg4[%add3A_5, %dma_start3A_39] : memref<16384x64xf32, #tpu.memory_space<hbm>> -> memref<256x64xf32, #tpu.memory_space<hbm>>
      tpu.enqueue_dma source(%dma_start3A_40 : memref<256x64xf32, #tpu.memory_space<hbm>>) target(%arg9 : memref<256x64xf32, #tpu.memory_space<vmem>>) target_semaphore(%run_scoped3A : memref<!tpu.dma_semaphore, #tpu.memory_space<semaphore_mem>>)
      %dma_wait3A_41 = arith.constant 0 : i32
      %dma_wait3A_42 = tpu.memref_slice %arg4[%add3A_5, %dma_wait3A_41] : memref<16384x64xf32, #tpu.memory_space<hbm>> -> memref<256x64xf32, #tpu.memory_space<hbm>>
      %dma_wait3A_43 = arith.constant 0 : i32
      %dma_wait3A_44 = tpu.memref_slice %arg4[%add3A_5, %dma_wait3A_43] : memref<16384x64xf32, #tpu.memory_space<hbm>> -> memref<256x64xf32, #tpu.memory_space<hbm>>
      tpu.wait_dma2 semaphore(%run_scoped3A : memref<!tpu.dma_semaphore, #tpu.memory_space<semaphore_mem>>) src(%dma_wait3A_44 : memref<256x64xf32, #tpu.memory_space<hbm>>) dst(%arg9 : memref<256x64xf32, #tpu.memory_space<vmem>>)
      tpu.yield
    }) : () -> ()
    %scan3A = arith.constant 0 : i32
    %scan3A_10 = arith.constant 256 : i32
    %scan3A_11 = arith.addi %scan3A, %scan3A_10 : i32
    %scan3A_12 = arith.constant 1 : i32
    %scan3A_13:4 = scf.for %scan3A_37 = %scan3A to %scan3A_11 step %scan3A_12 iter_args(%scan3A_38 = %broadcast_in_dim3A_1, %scan3A_39 = %broadcast_in_dim3A_1, %scan3A_40 = %broadcast_in_dim3A_1, %scan3A_41 = %broadcast_in_dim3A_1) -> (vector<16xf32>, vector<16xf32>, vector<16xf32>, vector<16xf32>)  : i32 {
      %get3A = arith.index_cast %scan3A_37 : i32 to index
      %get3A_42 = arith.constant 0 : index
      %get3A_43 = tpu.vector_load %arg9[%get3A, %get3A_42] {strides = array<i32>} : memref<256x64xf32, #tpu.memory_space<vmem>>, vector<1x16xf32>,
      %get3A_44 = vector.shape_cast %get3A_43 : vector<1x16xf32> to vector<16xf32>
      %get3A_45 = arith.index_cast %scan3A_37 : i32 to index
      %get3A_46 = arith.constant 0 : index
      %get3A_47 = tpu.vector_load %arg8[%get3A_45, %get3A_46] {strides = array<i32>} : memref<256x128xf32, #tpu.memory_space<vmem>>, vector<1x16xf32>,
      %get3A_48 = vector.shape_cast %get3A_47 : vector<1x16xf32> to vector<16xf32>
      %sub3A = arith.subf %get3A_48, %get3A_44 : vector<16xf32>
      %add3A_49 = arith.addf %get3A_44, %sub3A : vector<16xf32>
      %swap3A_50 = arith.index_cast %scan3A_37 : i32 to index
      %swap3A_51 = arith.constant 0 : index
      %swap3A_52 = tpu.vector_load %arg9[%swap3A_50, %swap3A_51] {strides = array<i32>} : memref<256x64xf32, #tpu.memory_space<vmem>>, vector<1x16xf32>,
      %swap3A_53 = vector.shape_cast %swap3A_52 : vector<1x16xf32> to vector<16xf32>
      %swap3A_54 = vector.shape_cast %add3A_49 : vector<16xf32> to vector<1x16xf32>
      tpu.vector_store %arg9[%swap3A_50, %swap3A_51], %swap3A_54 {strides = array<i32>} : memref<256x64xf32, #tpu.memory_space<vmem>>, vector<1x16xf32>,
      %mul3A_55 = arith.mulf %sub3A, %sub3A : vector<16xf32>
      %add3A_56 = arith.addf %scan3A_38, %mul3A_55 : vector<16xf32>
      %get3A_57 = arith.index_cast %scan3A_37 : i32 to index
      %get3A_58 = arith.constant 16 : index
      %get3A_59 = tpu.vector_load %arg9[%get3A_57, %get3A_58] {strides = array<i32>} : memref<256x64xf32, #tpu.memory_space<vmem>>, vector<1x16xf32>,
      %get3A_60 = vector.shape_cast %get3A_59 : vector<1x16xf32> to vector<16xf32>
      %get3A_61 = arith.index_cast %scan3A_37 : i32 to index
      %get3A_62 = arith.constant 16 : index
      %get3A_63 = tpu.vector_load %arg8[%get3A_61, %get3A_62] {strides = array<i32>} : memref<256x128xf32, #tpu.memory_space<vmem>>, vector<1x16xf32>,
      %get3A_64 = vector.shape_cast %get3A_63 : vector<1x16xf32> to vector<16xf32>
      %sub3A_65 = arith.subf %get3A_64, %get3A_60 : vector<16xf32>
      %add3A_66 = arith.addf %get3A_60, %sub3A_65 : vector<16xf32>
      %swap3A_67 = arith.index_cast %scan3A_37 : i32 to index
      %swap3A_68 = arith.constant 16 : index
      %swap3A_69 = tpu.vector_load %arg9[%swap3A_67, %swap3A_68] {strides = array<i32>} : memref<256x64xf32, #tpu.memory_space<vmem>>, vector<1x16xf32>,
      %swap3A_70 = vector.shape_cast %swap3A_69 : vector<1x16xf32> to vector<16xf32>
      %swap3A_71 = vector.shape_cast %add3A_66 : vector<16xf32> to vector<1x16xf32>
      tpu.vector_store %arg9[%swap3A_67, %swap3A_68], %swap3A_71 {strides = array<i32>} : memref<256x64xf32, #tpu.memory_space<vmem>>, vector<1x16xf32>,
      %mul3A_72 = arith.mulf %sub3A_65, %sub3A_65 : vector<16xf32>
      %add3A_73 = arith.addf %scan3A_39, %mul3A_72 : vector<16xf32>
      %get3A_74 = arith.index_cast %scan3A_37 : i32 to index
      %get3A_75 = arith.constant 32 : index
      %get3A_76 = tpu.vector_load %arg9[%get3A_74, %get3A_75] {strides = array<i32>} : memref<256x64xf32, #tpu.memory_space<vmem>>, vector<1x16xf32>,
      %get3A_77 = vector.shape_cast %get3A_76 : vector<1x16xf32> to vector<16xf32>
      %get3A_78 = arith.index_cast %scan3A_37 : i32 to index
      %get3A_79 = arith.constant 32 : index
      %get3A_80 = tpu.vector_load %arg8[%get3A_78, %get3A_79] {strides = array<i32>} : memref<256x128xf32, #tpu.memory_space<vmem>>, vector<1x16xf32>,
      %get3A_81 = vector.shape_cast %get3A_80 : vector<1x16xf32> to vector<16xf32>
      %sub3A_82 = arith.subf %get3A_81, %get3A_77 : vector<16xf32>
      %add3A_83 = arith.addf %get3A_77, %sub3A_82 : vector<16xf32>
      %swap3A_84 = arith.index_cast %scan3A_37 : i32 to index
      %swap3A_85 = arith.constant 32 : index
      %swap3A_86 = tpu.vector_load %arg9[%swap3A_84, %swap3A_85] {strides = array<i32>} : memref<256x64xf32, #tpu.memory_space<vmem>>, vector<1x16xf32>,
      %swap3A_87 = vector.shape_cast %swap3A_86 : vector<1x16xf32> to vector<16xf32>
      %swap3A_88 = vector.shape_cast %add3A_83 : vector<16xf32> to vector<1x16xf32>
      tpu.vector_store %arg9[%swap3A_84, %swap3A_85], %swap3A_88 {strides = array<i32>} : memref<256x64xf32, #tpu.memory_space<vmem>>, vector<1x16xf32>,
      %mul3A_89 = arith.mulf %sub3A_82, %sub3A_82 : vector<16xf32>
      %add3A_90 = arith.addf %scan3A_40, %mul3A_89 : vector<16xf32>
      %get3A_91 = arith.index_cast %scan3A_37 : i32 to index
      %get3A_92 = arith.constant 48 : index
      %get3A_93 = tpu.vector_load %arg9[%get3A_91, %get3A_92] {strides = array<i32>} : memref<256x64xf32, #tpu.memory_space<vmem>>, vector<1x16xf32>,
      %get3A_94 = vector.shape_cast %get3A_93 : vector<1x16xf32> to vector<16xf32>
      %get3A_95 = arith.index_cast %scan3A_37 : i32 to index
      %get3A_96 = arith.constant 48 : index
      %get3A_97 = tpu.vector_load %arg8[%get3A_95, %get3A_96] {strides = array<i32>} : memref<256x128xf32, #tpu.memory_space<vmem>>, vector<1x16xf32>,
      %get3A_98 = vector.shape_cast %get3A_97 : vector<1x16xf32> to vector<16xf32>
      %sub3A_99 = arith.subf %get3A_98, %get3A_94 : vector<16xf32>
      %add3A_100 = arith.addf %get3A_94, %sub3A_99 : vector<16xf32>
      %swap3A_101 = arith.index_cast %scan3A_37 : i32 to index
      %swap3A_102 = arith.constant 48 : index
      %swap3A_103 = tpu.vector_load %arg9[%swap3A_101, %swap3A_102] {strides = array<i32>} : memref<256x64xf32, #tpu.memory_space<vmem>>, vector<1x16xf32>,
      %swap3A_104 = vector.shape_cast %swap3A_103 : vector<1x16xf32> to vector<16xf32>
      %swap3A_105 = vector.shape_cast %add3A_100 : vector<16xf32> to vector<1x16xf32>
      tpu.vector_store %arg9[%swap3A_101, %swap3A_102], %swap3A_105 {strides = array<i32>} : memref<256x64xf32, #tpu.memory_space<vmem>>, vector<1x16xf32>,
      %mul3A_106 = arith.mulf %sub3A_99, %sub3A_99 : vector<16xf32>
      %add3A_107 = arith.addf %scan3A_41, %mul3A_106 : vector<16xf32>
      scf.yield %add3A_56, %add3A_73, %add3A_90, %add3A_107 : vector<16xf32>, vector<16xf32>, vector<16xf32>, vector<16xf32>
    }
    %scan3A_14 = arith.constant 256 : i32
    "tpu.region"() ({
      %run_scoped3A = tpu.sem_alloc : memref<!tpu.dma_semaphore, #tpu.memory_space<semaphore_mem>>
      %dma_start3A_37 = arith.constant 0 : i32
      %dma_start3A_38 = tpu.memref_slice %arg5[%add3A_5, %dma_start3A_37] : memref<16384x64xf32, #tpu.memory_space<hbm>> -> memref<256x64xf32, #tpu.memory_space<hbm>>
      %dma_start3A_39 = arith.constant 0 : i32
      %dma_start3A_40 = tpu.memref_slice %arg5[%add3A_5, %dma_start3A_39] : memref<16384x64xf32, #tpu.memory_space<hbm>> -> memref<256x64xf32, #tpu.memory_space<hbm>>
      tpu.enqueue_dma source(%arg9 : memref<256x64xf32, #tpu.memory_space<vmem>>) target(%dma_start3A_40 : memref<256x64xf32, #tpu.memory_space<hbm>>) target_semaphore(%run_scoped3A : memref<!tpu.dma_semaphore, #tpu.memory_space<semaphore_mem>>)
      %dma_wait3A_41 = arith.constant 0 : i32
      %dma_wait3A_42 = tpu.memref_slice %arg5[%add3A_5, %dma_wait3A_41] : memref<16384x64xf32, #tpu.memory_space<hbm>> -> memref<256x64xf32, #tpu.memory_space<hbm>>
      %dma_wait3A_43 = arith.constant 0 : i32
      %dma_wait3A_44 = tpu.memref_slice %arg5[%add3A_5, %dma_wait3A_43] : memref<16384x64xf32, #tpu.memory_space<hbm>> -> memref<256x64xf32, #tpu.memory_space<hbm>>
      tpu.wait_dma2 semaphore(%run_scoped3A : memref<!tpu.dma_semaphore, #tpu.memory_space<semaphore_mem>>) src(%arg9 : memref<256x64xf32, #tpu.memory_space<vmem>>) dst(%dma_wait3A_44 : memref<256x64xf32, #tpu.memory_space<hbm>>)
      tpu.yield
    }) : () -> ()
    %mul3A_15 = arith.constant 512 : i32
    %mul3A_16 = arith.muli %add3A, %mul3A_15 : i32
    %add3A_17 = arith.constant 256 : i32
    %add3A_18 = arith.addi %mul3A_16, %add3A_17 : i32
    "tpu.region"() ({
      %run_scoped3A = tpu.sem_alloc : memref<!tpu.dma_semaphore, #tpu.memory_space<semaphore_mem>>
      %dma_start3A_37 = tpu.memref_slice %arg3[%add3A_18] : memref<16384xi32, #tpu.memory_space<hbm>> -> memref<256xi32, #tpu.memory_space<hbm>>
      %dma_start3A_38 = tpu.memref_slice %arg3[%add3A_18] : memref<16384xi32, #tpu.memory_space<hbm>> -> memref<256xi32, #tpu.memory_space<hbm>>
      tpu.enqueue_dma source(%dma_start3A_38 : memref<256xi32, #tpu.memory_space<hbm>>) target(%arg7 : memref<256xi32, #tpu.memory_space<vmem>>) target_semaphore(%run_scoped3A : memref<!tpu.dma_semaphore, #tpu.memory_space<semaphore_mem>>)
      %dma_wait3A_39 = tpu.memref_slice %arg3[%add3A_18] : memref<16384xi32, #tpu.memory_space<hbm>> -> memref<256xi32, #tpu.memory_space<hbm>>
      %dma_wait3A_40 = tpu.memref_slice %arg3[%add3A_18] : memref<16384xi32, #tpu.memory_space<hbm>> -> memref<256xi32, #tpu.memory_space<hbm>>
      tpu.wait_dma2 semaphore(%run_scoped3A : memref<!tpu.dma_semaphore, #tpu.memory_space<semaphore_mem>>) src(%dma_wait3A_40 : memref<256xi32, #tpu.memory_space<hbm>>) dst(%arg7 : memref<256xi32, #tpu.memory_space<vmem>>)
      tpu.yield
    }) : () -> ()
    %dma_start3A_19 = arith.constant 0 : i32
    %dma_start3A_20 = arith.constant 0 : i32
    %dma_start3A_21 = tpu.memref_slice %arg2[%dma_start3A_19, %dma_start3A_20] : memref<1024x128xf32, #tpu.memory_space<hbm>> -> memref<1024x128xf32, #tpu.memory_space<hbm>>
    tpu.enqueue_indirect_dma source(%dma_start3A_21 : memref<1024x128xf32, #tpu.memory_space<hbm>>) target(%arg8 : memref<256x128xf32, #tpu.memory_space<vmem>>) offsets(%arg7 : memref<256xi32, #tpu.memory_space<vmem>>) semaphore(%arg11 : memref<!tpu.dma_semaphore, #tpu.memory_space<semaphore_mem>>)
    %dma_wait3A_22 = arith.constant 0 : i32
    %dma_wait3A_23 = arith.constant 0 : i32
    %dma_wait3A_24 = tpu.memref_slice %arg2[%dma_wait3A_22, %dma_wait3A_23] : memref<1024x128xf32, #tpu.memory_space<hbm>> -> memref<1024x128xf32, #tpu.memory_space<hbm>>
    tpu.wait_indirect_dma semaphore(%arg11 : memref<!tpu.dma_semaphore, #tpu.memory_space<semaphore_mem>>) src(%dma_wait3A_24 : memref<1024x128xf32, #tpu.memory_space<hbm>>) dst(%arg8 : memref<256x128xf32, #tpu.memory_space<vmem>>)
    "tpu.region"() ({
      %run_scoped3A = tpu.sem_alloc : memref<!tpu.dma_semaphore, #tpu.memory_space<semaphore_mem>>
      %dma_start3A_37 = arith.constant 0 : i32
      %dma_start3A_38 = tpu.memref_slice %arg4[%add3A_18, %dma_start3A_37] : memref<16384x64xf32, #tpu.memory_space<hbm>> -> memref<256x64xf32, #tpu.memory_space<hbm>>
      %dma_start3A_39 = arith.constant 0 : i32
      %dma_start3A_40 = tpu.memref_slice %arg4[%add3A_18, %dma_start3A_39] : memref<16384x64xf32, #tpu.memory_space<hbm>> -> memref<256x64xf32, #tpu.memory_space<hbm>>
      tpu.enqueue_dma source(%dma_start3A_40 : memref<256x64xf32, #tpu.memory_space<hbm>>) target(%arg9 : memref<256x64xf32, #tpu.memory_space<vmem>>) target_semaphore(%run_scoped3A : memref<!tpu.dma_semaphore, #tpu.memory_space<semaphore_mem>>)
      %dma_wait3A_41 = arith.constant 0 : i32
      %dma_wait3A_42 = tpu.memref_slice %arg4[%add3A_18, %dma_wait3A_41] : memref<16384x64xf32, #tpu.memory_space<hbm>> -> memref<256x64xf32, #tpu.memory_space<hbm>>
      %dma_wait3A_43 = arith.constant 0 : i32
      %dma_wait3A_44 = tpu.memref_slice %arg4[%add3A_18, %dma_wait3A_43] : memref<16384x64xf32, #tpu.memory_space<hbm>> -> memref<256x64xf32, #tpu.memory_space<hbm>>
      tpu.wait_dma2 semaphore(%run_scoped3A : memref<!tpu.dma_semaphore, #tpu.memory_space<semaphore_mem>>) src(%dma_wait3A_44 : memref<256x64xf32, #tpu.memory_space<hbm>>) dst(%arg9 : memref<256x64xf32, #tpu.memory_space<vmem>>)
      tpu.yield
    }) : () -> ()
    %scan3A_25 = arith.constant 0 : i32
    %scan3A_26 = arith.constant 256 : i32
    %scan3A_27 = arith.addi %scan3A_25, %scan3A_26 : i32
    %scan3A_28 = arith.constant 1 : i32
    %scan3A_29:4 = scf.for %scan3A_37 = %scan3A_25 to %scan3A_27 step %scan3A_28 iter_args(%scan3A_38 = %scan3A_13#0, %scan3A_39 = %scan3A_13#1, %scan3A_40 = %scan3A_13#2, %scan3A_41 = %scan3A_13#3) -> (vector<16xf32>, vector<16xf32>, vector<16xf32>, vector<16xf32>)  : i32 {
      %get3A = arith.index_cast %scan3A_37 : i32 to index
      %get3A_42 = arith.constant 0 : index
      %get3A_43 = tpu.vector_load %arg9[%get3A, %get3A_42] {strides = array<i32>} : memref<256x64xf32, #tpu.memory_space<vmem>>, vector<1x16xf32>,
      %get3A_44 = vector.shape_cast %get3A_43 : vector<1x16xf32> to vector<16xf32>
      %get3A_45 = arith.index_cast %scan3A_37 : i32 to index
      %get3A_46 = arith.constant 0 : index
      %get3A_47 = tpu.vector_load %arg8[%get3A_45, %get3A_46] {strides = array<i32>} : memref<256x128xf32, #tpu.memory_space<vmem>>, vector<1x16xf32>,
      %get3A_48 = vector.shape_cast %get3A_47 : vector<1x16xf32> to vector<16xf32>
      %sub3A = arith.subf %get3A_48, %get3A_44 : vector<16xf32>
      %add3A_49 = arith.addf %get3A_44, %sub3A : vector<16xf32>
      %swap3A_50 = arith.index_cast %scan3A_37 : i32 to index
      %swap3A_51 = arith.constant 0 : index
      %swap3A_52 = tpu.vector_load %arg9[%swap3A_50, %swap3A_51] {strides = array<i32>} : memref<256x64xf32, #tpu.memory_space<vmem>>, vector<1x16xf32>,
      %swap3A_53 = vector.shape_cast %swap3A_52 : vector<1x16xf32> to vector<16xf32>
      %swap3A_54 = vector.shape_cast %add3A_49 : vector<16xf32> to vector<1x16xf32>
      tpu.vector_store %arg9[%swap3A_50, %swap3A_51], %swap3A_54 {strides = array<i32>} : memref<256x64xf32, #tpu.memory_space<vmem>>, vector<1x16xf32>,
      %mul3A_55 = arith.mulf %sub3A, %sub3A : vector<16xf32>
      %add3A_56 = arith.addf %scan3A_38, %mul3A_55 : vector<16xf32>
      %get3A_57 = arith.index_cast %scan3A_37 : i32 to index
      %get3A_58 = arith.constant 16 : index
      %get3A_59 = tpu.vector_load %arg9[%get3A_57, %get3A_58] {strides = array<i32>} : memref<256x64xf32, #tpu.memory_space<vmem>>, vector<1x16xf32>,
      %get3A_60 = vector.shape_cast %get3A_59 : vector<1x16xf32> to vector<16xf32>
      %get3A_61 = arith.index_cast %scan3A_37 : i32 to index
      %get3A_62 = arith.constant 16 : index
      %get3A_63 = tpu.vector_load %arg8[%get3A_61, %get3A_62] {strides = array<i32>} : memref<256x128xf32, #tpu.memory_space<vmem>>, vector<1x16xf32>,
      %get3A_64 = vector.shape_cast %get3A_63 : vector<1x16xf32> to vector<16xf32>
      %sub3A_65 = arith.subf %get3A_64, %get3A_60 : vector<16xf32>
      %add3A_66 = arith.addf %get3A_60, %sub3A_65 : vector<16xf32>
      %swap3A_67 = arith.index_cast %scan3A_37 : i32 to index
      %swap3A_68 = arith.constant 16 : index
      %swap3A_69 = tpu.vector_load %arg9[%swap3A_67, %swap3A_68] {strides = array<i32>} : memref<256x64xf32, #tpu.memory_space<vmem>>, vector<1x16xf32>,
      %swap3A_70 = vector.shape_cast %swap3A_69 : vector<1x16xf32> to vector<16xf32>
      %swap3A_71 = vector.shape_cast %add3A_66 : vector<16xf32> to vector<1x16xf32>
      tpu.vector_store %arg9[%swap3A_67, %swap3A_68], %swap3A_71 {strides = array<i32>} : memref<256x64xf32, #tpu.memory_space<vmem>>, vector<1x16xf32>,
      %mul3A_72 = arith.mulf %sub3A_65, %sub3A_65 : vector<16xf32>
      %add3A_73 = arith.addf %scan3A_39, %mul3A_72 : vector<16xf32>
      %get3A_74 = arith.index_cast %scan3A_37 : i32 to index
      %get3A_75 = arith.constant 32 : index
      %get3A_76 = tpu.vector_load %arg9[%get3A_74, %get3A_75] {strides = array<i32>} : memref<256x64xf32, #tpu.memory_space<vmem>>, vector<1x16xf32>,
      %get3A_77 = vector.shape_cast %get3A_76 : vector<1x16xf32> to vector<16xf32>
      %get3A_78 = arith.index_cast %scan3A_37 : i32 to index
      %get3A_79 = arith.constant 32 : index
      %get3A_80 = tpu.vector_load %arg8[%get3A_78, %get3A_79] {strides = array<i32>} : memref<256x128xf32, #tpu.memory_space<vmem>>, vector<1x16xf32>,
      %get3A_81 = vector.shape_cast %get3A_80 : vector<1x16xf32> to vector<16xf32>
      %sub3A_82 = arith.subf %get3A_81, %get3A_77 : vector<16xf32>
      %add3A_83 = arith.addf %get3A_77, %sub3A_82 : vector<16xf32>
      %swap3A_84 = arith.index_cast %scan3A_37 : i32 to index
      %swap3A_85 = arith.constant 32 : index
      %swap3A_86 = tpu.vector_load %arg9[%swap3A_84, %swap3A_85] {strides = array<i32>} : memref<256x64xf32, #tpu.memory_space<vmem>>, vector<1x16xf32>,
      %swap3A_87 = vector.shape_cast %swap3A_86 : vector<1x16xf32> to vector<16xf32>
      %swap3A_88 = vector.shape_cast %add3A_83 : vector<16xf32> to vector<1x16xf32>
      tpu.vector_store %arg9[%swap3A_84, %swap3A_85], %swap3A_88 {strides = array<i32>} : memref<256x64xf32, #tpu.memory_space<vmem>>, vector<1x16xf32>,
      %mul3A_89 = arith.mulf %sub3A_82, %sub3A_82 : vector<16xf32>
      %add3A_90 = arith.addf %scan3A_40, %mul3A_89 : vector<16xf32>
      %get3A_91 = arith.index_cast %scan3A_37 : i32 to index
      %get3A_92 = arith.constant 48 : index
      %get3A_93 = tpu.vector_load %arg9[%get3A_91, %get3A_92] {strides = array<i32>} : memref<256x64xf32, #tpu.memory_space<vmem>>, vector<1x16xf32>,
      %get3A_94 = vector.shape_cast %get3A_93 : vector<1x16xf32> to vector<16xf32>
      %get3A_95 = arith.index_cast %scan3A_37 : i32 to index
      %get3A_96 = arith.constant 48 : index
      %get3A_97 = tpu.vector_load %arg8[%get3A_95, %get3A_96] {strides = array<i32>} : memref<256x128xf32, #tpu.memory_space<vmem>>, vector<1x16xf32>,
      %get3A_98 = vector.shape_cast %get3A_97 : vector<1x16xf32> to vector<16xf32>
      %sub3A_99 = arith.subf %get3A_98, %get3A_94 : vector<16xf32>
      %add3A_100 = arith.addf %get3A_94, %sub3A_99 : vector<16xf32>
      %swap3A_101 = arith.index_cast %scan3A_37 : i32 to index
      %swap3A_102 = arith.constant 48 : index
      %swap3A_103 = tpu.vector_load %arg9[%swap3A_101, %swap3A_102] {strides = array<i32>} : memref<256x64xf32, #tpu.memory_space<vmem>>, vector<1x16xf32>,
      %swap3A_104 = vector.shape_cast %swap3A_103 : vector<1x16xf32> to vector<16xf32>
      %swap3A_105 = vector.shape_cast %add3A_100 : vector<16xf32> to vector<1x16xf32>
      tpu.vector_store %arg9[%swap3A_101, %swap3A_102], %swap3A_105 {strides = array<i32>} : memref<256x64xf32, #tpu.memory_space<vmem>>, vector<1x16xf32>,
      %mul3A_106 = arith.mulf %sub3A_99, %sub3A_99 : vector<16xf32>
      %add3A_107 = arith.addf %scan3A_41, %mul3A_106 : vector<16xf32>
      scf.yield %add3A_56, %add3A_73, %add3A_90, %add3A_107 : vector<16xf32>, vector<16xf32>, vector<16xf32>, vector<16xf32>
    }
    %scan3A_30 = arith.constant 256 : i32
    "tpu.region"() ({
      %run_scoped3A = tpu.sem_alloc : memref<!tpu.dma_semaphore, #tpu.memory_space<semaphore_mem>>
      %dma_start3A_37 = arith.constant 0 : i32
      %dma_start3A_38 = tpu.memref_slice %arg5[%add3A_18, %dma_start3A_37] : memref<16384x64xf32, #tpu.memory_space<hbm>> -> memref<256x64xf32, #tpu.memory_space<hbm>>
      %dma_start3A_39 = arith.constant 0 : i32
      %dma_start3A_40 = tpu.memref_slice %arg5[%add3A_18, %dma_start3A_39] : memref<16384x64xf32, #tpu.memory_space<hbm>> -> memref<256x64xf32, #tpu.memory_space<hbm>>
      tpu.enqueue_dma source(%arg9 : memref<256x64xf32, #tpu.memory_space<vmem>>) target(%dma_start3A_40 : memref<256x64xf32, #tpu.memory_space<hbm>>) target_semaphore(%run_scoped3A : memref<!tpu.dma_semaphore, #tpu.memory_space<semaphore_mem>>)
      %dma_wait3A_41 = arith.constant 0 : i32
      %dma_wait3A_42 = tpu.memref_slice %arg5[%add3A_18, %dma_wait3A_41] : memref<16384x64xf32, #tpu.memory_space<hbm>> -> memref<256x64xf32, #tpu.memory_space<hbm>>
      %dma_wait3A_43 = arith.constant 0 : i32
      %dma_wait3A_44 = tpu.memref_slice %arg5[%add3A_18, %dma_wait3A_43] : memref<16384x64xf32, #tpu.memory_space<hbm>> -> memref<256x64xf32, #tpu.memory_space<hbm>>
      tpu.wait_dma2 semaphore(%run_scoped3A : memref<!tpu.dma_semaphore, #tpu.memory_space<semaphore_mem>>) src(%arg9 : memref<256x64xf32, #tpu.memory_space<vmem>>) dst(%dma_wait3A_44 : memref<256x64xf32, #tpu.memory_space<hbm>>)
      tpu.yield
    }) : () -> ()
    %add3A_31 = arith.addf %scan3A_29#0, %scan3A_29#1 : vector<16xf32>
    %add3A_32 = arith.addf %scan3A_29#2, %scan3A_29#3 : vector<16xf32>
    %add3A_33 = arith.addf %add3A_31, %add3A_32 : vector<16xf32>
    %swap3A = arith.constant 0 : index
    %swap3A_34 = tpu.vector_load %arg10[%swap3A] {strides = array<i32>} : memref<16xf32, #tpu.memory_space<vmem>>, vector<16xf32>,
    %swap3A_35 = vector.shape_cast %swap3A_34 : vector<16xf32> to vector<16xf32>
    %swap3A_36 = vector.shape_cast %add3A_33 : vector<16xf32> to vector<16xf32>
    tpu.vector_store %arg10[%swap3A], %swap3A_36 {strides = array<i32>} : memref<16xf32, #tpu.memory_space<vmem>>, vector<16xf32>,
    "tpu.region"() ({
      %run_scoped3A = tpu.sem_alloc : memref<!tpu.dma_semaphore, #tpu.memory_space<semaphore_mem>>
      %dma_start3A_37 = arith.constant 0 : i32
      %dma_start3A_38 = tpu.memref_slice %arg6[%add3A, %dma_start3A_37] : memref<32x16xf32, #tpu.memory_space<hbm>> -> memref<1x16xf32, #tpu.memory_space<hbm>>
      %dma_start3A_39 = tpu.memref_squeeze %dma_start3A_38 : memref<1x16xf32, #tpu.memory_space<hbm>> -> memref<16xf32, #tpu.memory_space<hbm>>
      %dma_start3A_40 = arith.constant 0 : i32
      %dma_start3A_41 = tpu.memref_slice %arg6[%add3A, %dma_start3A_40] : memref<32x16xf32, #tpu.memory_space<hbm>> -> memref<1x16xf32, #tpu.memory_space<hbm>>
      %dma_start3A_42 = tpu.memref_squeeze %dma_start3A_41 : memref<1x16xf32, #tpu.memory_space<hbm>> -> memref<16xf32, #tpu.memory_space<hbm>>
      tpu.enqueue_dma source(%arg10 : memref<16xf32, #tpu.memory_space<vmem>>) target(%dma_start3A_42 : memref<16xf32, #tpu.memory_space<hbm>>) target_semaphore(%run_scoped3A : memref<!tpu.dma_semaphore, #tpu.memory_space<semaphore_mem>>)
      %dma_wait3A_43 = arith.constant 0 : i32
      %dma_wait3A_44 = tpu.memref_slice %arg6[%add3A, %dma_wait3A_43] : memref<32x16xf32, #tpu.memory_space<hbm>> -> memref<1x16xf32, #tpu.memory_space<hbm>>
      %dma_wait3A_45 = tpu.memref_squeeze %dma_wait3A_44 : memref<1x16xf32, #tpu.memory_space<hbm>> -> memref<16xf32, #tpu.memory_space<hbm>>
      %dma_wait3A_46 = arith.constant 0 : i32
      %dma_wait3A_47 = tpu.memref_slice %arg6[%add3A, %dma_wait3A_46] : memref<32x16xf32, #tpu.memory_space<hbm>> -> memref<1x16xf32, #tpu.memory_space<hbm>>
      %dma_wait3A_48 = tpu.memref_squeeze %dma_wait3A_47 : memref<1x16xf32, #tpu.memory_space<hbm>> -> memref<16xf32, #tpu.memory_space<hbm>>
      tpu.wait_dma2 semaphore(%run_scoped3A : memref<!tpu.dma_semaphore, #tpu.memory_space<semaphore_mem>>) src(%arg10 : memref<16xf32, #tpu.memory_space<vmem>>) dst(%dma_wait3A_48 : memref<16xf32, #tpu.memory_space<hbm>>)
      tpu.yield
    }) : () -> ()
    return
  }
}

module attributes {stable_mosaic.version = 14 : i64} {
  func.func @_tc_body(%arg0: i32, %arg1: memref<4096x64xf32, #tpu.memory_space<vmem>>, %arg2: memref<1x1x4096xf32, #tpu.memory_space<vmem>>, %arg3: memref<1024x1xf32, #tpu.memory_space<vmem>>, %arg4: memref<1024x64xf32, #tpu.memory_space<vmem>>, %arg5: memref<1024x64xbf16, #tpu.memory_space<vmem>>, %arg6: memref<1x1x4096xi32, #tpu.memory_space<vmem>>) attributes {dimension_semantics = [#tpu.dimension_semantics<arbitrary>], iteration_bounds = array<i64: 4>, scalar_prefetch = 0 : i64, scratch_operands = 0 : i64, tpu.core_type = #tpu.core_type<tc>, window_params = [{transform_indices = @transform_0, window_bounds = array<i64: 4096, 64>}, {transform_indices = @transform_1, window_bounds = array<i64: 1, 1, 4096>}, {pipeline_mode = #tpu.pipeline_mode<synchronous>, transform_indices = @transform_2, window_bounds = array<i64: 1024, 1>}, {pipeline_mode = #tpu.pipeline_mode<synchronous>, transform_indices = @transform_3, window_bounds = array<i64: 1024, 64>}, {pipeline_mode = #tpu.pipeline_mode<synchronous>, transform_indices = @transform_4, window_bounds = array<i64: 1024, 64>}, {transform_indices = @transform_5, window_bounds = array<i64: 1, 1, 4096>}]} {
    %get3A = arith.constant 0 : index
    %get3A_0 = arith.constant 0 : index
    %get3A_1 = vector.load %arg1[%get3A, %get3A_0] : memref<4096x64xf32, #tpu.memory_space<vmem>>, vector<4096x64xf32>
    %get3A_2 = arith.constant 0 : index
    %get3A_3 = arith.constant 0 : index
    %get3A_4 = vector.load %arg4[%get3A_2, %get3A_3] : memref<1024x64xf32, #tpu.memory_space<vmem>>, vector<1024x64xf32>
    %dot_general3A = arith.constant dense<0.000000e+00> : vector<1024x4096xf32>
    %dot_general3A_5 = tpu.matmul %get3A_4, %get3A_1, %dot_general3A {dimension_numbers = #tpu.dot_dimension_numbers<[1], [1], [0], [0], [0, 0, 1, 0], [], []>, transpose_lhs_hint = false} : vector<1024x64xf32>, vector<4096x64xf32>, vector<1024x4096xf32> -> vector<1024x4096xf32>
    %get3A_6 = arith.constant 0 : index
    %get3A_7 = arith.constant 0 : index
    %get3A_8 = arith.constant 0 : index
    %get3A_9 = vector.load %arg2[%get3A_6, %get3A_7, %get3A_8] : memref<1x1x4096xf32, #tpu.memory_space<vmem>>, vector<1x1x4096xf32>
    %get3A_10 = vector.shape_cast %get3A_9 : vector<1x1x4096xf32> to vector<1x4096xf32>
    %sub3A = vector.broadcast %get3A_10 : vector<1x4096xf32> to vector<1024x4096xf32>
    %sub3A_11 = arith.subf %sub3A, %dot_general3A_5 : vector<1024x4096xf32>
    %get3A_12 = arith.constant 0 : index
    %get3A_13 = arith.constant 0 : index
    %get3A_14 = vector.load %arg3[%get3A_12, %get3A_13] : memref<1024x1xf32, #tpu.memory_space<vmem>>, vector<1024x1xf32>
    %add3A = vector.broadcast %get3A_14 : vector<1024x1xf32> to vector<1024x4096xf32>
    %add3A_15 = arith.addf %sub3A_11, %add3A : vector<1024x4096xf32>
    %reduce_min3A = arith.constant dense<0x7F800000> : vector<4096xf32>
    %reduce_min3A_16 = vector.multi_reduction <minimumf>, %add3A_15, %reduce_min3A [0] : vector<1024x4096xf32> to vector<4096xf32>
    %broadcast_in_dim3A = vector.shape_cast %reduce_min3A_16 : vector<4096xf32> to vector<1x4096xf32>
    %eq3A = vector.broadcast %broadcast_in_dim3A : vector<1x4096xf32> to vector<1024x4096xf32>
    %eq3A_17 = arith.cmpf oeq, %add3A_15, %eq3A : vector<1024x4096xf32>
    %convert_element_type3A = arith.extui %eq3A_17 : vector<1024x4096xi1> to vector<1024x4096xi32>
    %convert_element_type3A_18 = arith.sitofp %convert_element_type3A : vector<1024x4096xi32> to vector<1024x4096xf32>
    %convert_element_type3A_19 = arith.truncf %convert_element_type3A_18 : vector<1024x4096xf32> to vector<1024x4096xbf16>
    %get3A_20 = arith.constant 0 : index
    %get3A_21 = arith.constant 0 : index
    %get3A_22 = vector.load %arg5[%get3A_20, %get3A_21] : memref<1024x64xbf16, #tpu.memory_space<vmem>>, vector<1024x64xbf16>
    %dot_general3A_23 = arith.constant dense<0.000000e+00> : vector<64x4096xf32>
    %dot_general3A_24 = tpu.matmul %get3A_22, %convert_element_type3A_19, %dot_general3A_23 {dimension_numbers = #tpu.dot_dimension_numbers<[0], [0], [1], [1], [0, 1, 1, 1], [], []>, transpose_lhs_hint = false} : vector<1024x64xbf16>, vector<1024x4096xbf16>, vector<64x4096xf32> -> vector<64x4096xf32>
    %bitcast_convert_type3A = tpu.bitcast %dot_general3A_24 : vector<64x4096xf32> -> vector<64x4096xi32>
    %shift_right_arithmetic3A = arith.constant 23 : i32
    %shift_right_arithmetic3A_25 = vector.broadcast %shift_right_arithmetic3A : i32 to vector<64x4096xi32>
    %shift_right_arithmetic3A_26 = arith.shrsi %bitcast_convert_type3A, %shift_right_arithmetic3A_25 : vector<64x4096xi32>
    %iota3A = tpu.iota {dimensions = array<i32: 0>} : vector<64x4096xi32>
    %mul3A = arith.constant 16 : i32
    %mul3A_27 = vector.broadcast %mul3A : i32 to vector<64x4096xi32>
    %mul3A_28 = arith.muli %mul3A_27, %iota3A : vector<64x4096xi32>
    %add3A_29 = arith.constant 127 : i32
    %add3A_30 = vector.broadcast %add3A_29 : i32 to vector<64x4096xi32>
    %add3A_31 = arith.addi %mul3A_28, %add3A_30 : vector<64x4096xi32>
    %sub3A_32 = arith.subi %add3A_31, %shift_right_arithmetic3A_26 : vector<64x4096xi32>
    %convert_element_type3A_33 = arith.sitofp %sub3A_32 : vector<64x4096xi32> to vector<64x4096xf32>
    %gt3A = arith.constant 0.000000e+00 : f32
    %gt3A_34 = vector.broadcast %gt3A : f32 to vector<64x4096xf32>
    %gt3A_35 = arith.cmpf ogt, %dot_general3A_24, %gt3A_34 : vector<64x4096xf32>
    %jit3A = arith.constant 1.024000e+03 : f32
    %broadcast_in_dim3A_36 = vector.broadcast %jit3A : f32 to vector<64x4096xf32>
    %select_n3A = arith.select %gt3A_35, %convert_element_type3A_33, %broadcast_in_dim3A_36 : vector<64x4096xi1>, vector<64x4096xf32>
    %reduce_min3A_37 = arith.constant dense<0x7F800000> : vector<4096xf32>
    %reduce_min3A_38 = vector.multi_reduction <minimumf>, %select_n3A, %reduce_min3A_37 [0] : vector<64x4096xf32> to vector<4096xf32>
    %broadcast_in_dim3A_39 = vector.shape_cast %reduce_min3A_38 : vector<4096xf32> to vector<1x4096xf32>
    %convert_element_type3A_40 = arith.fptosi %broadcast_in_dim3A_39 : vector<1x4096xf32> to vector<1x4096xi32>
    %reshape3A = vector.shape_cast %convert_element_type3A_40 : vector<1x4096xi32> to vector<1x1x4096xi32>
    %swap3A = arith.constant 0 : index
    %swap3A_41 = arith.constant 0 : index
    %swap3A_42 = arith.constant 0 : index
    %swap3A_43 = vector.load %arg6[%swap3A, %swap3A_41, %swap3A_42] : memref<1x1x4096xi32, #tpu.memory_space<vmem>>, vector<1x1x4096xi32>
    tpu.vector_store %arg6[%swap3A, %swap3A_41, %swap3A_42], %reshape3A {strides = array<i32>} : memref<1x1x4096xi32, #tpu.memory_space<vmem>>, vector<1x1x4096xi32>,
    return
  }
  func.func @transform_0(%arg0: i32) -> (i32, i32) {
    %c0_i32 = arith.constant 0 : i32
    %c0_i32_0 = arith.constant 0 : i32
    return %arg0, %c0_i32 : i32, i32
  }
  func.func @transform_1(%arg0: i32) -> (i32, i32, i32) {
    %c0_i32 = arith.constant 0 : i32
    %c0_i32_0 = arith.constant 0 : i32
    %c0_i32_1 = arith.constant 0 : i32
    return %arg0, %c0_i32, %c0_i32_0 : i32, i32, i32
  }
  func.func @transform_2(%arg0: i32) -> (i32, i32) {
    %c0_i32 = arith.constant 0 : i32
    %c0_i32_0 = arith.constant 0 : i32
    %c0_i32_1 = arith.constant 0 : i32
    return %c0_i32, %c0_i32_0 : i32, i32
  }
  func.func @transform_3(%arg0: i32) -> (i32, i32) {
    %c0_i32 = arith.constant 0 : i32
    %c0_i32_0 = arith.constant 0 : i32
    %c0_i32_1 = arith.constant 0 : i32
    return %c0_i32, %c0_i32_0 : i32, i32
  }
  func.func @transform_4(%arg0: i32) -> (i32, i32) {
    %c0_i32 = arith.constant 0 : i32
    %c0_i32_0 = arith.constant 0 : i32
    %c0_i32_1 = arith.constant 0 : i32
    return %c0_i32, %c0_i32_0 : i32, i32
  }
  func.func @transform_5(%arg0: i32) -> (i32, i32, i32) {
    %c0_i32 = arith.constant 0 : i32
    %c0_i32_0 = arith.constant 0 : i32
    %c0_i32_1 = arith.constant 0 : i32
    return %arg0, %c0_i32, %c0_i32_0 : i32, i32, i32
  }
}

</mosaic_0001>

<sc_bundles>
// kernel: kernel.4.cloned.1.call-start
scs
__scs_entry_jumppad:
0x0: {  	(pc) =	sbr.rel $0x88, $3  }
0x1: {  	(tag) =	ssettag $0x0;
	lr =	simm.s32 $0x1  }
0x2: {  	[smem:$0x3F9F] =	sst lr;
	_ =	strace $0xD0000000  }
0x3: {  	_ = 	snop  }
0x4: {  	_ = 	snop  }
0x5: {  	_ = 	snop  }
0x6: {  	_ = 	snop  }
0x7: {  	_ = 	snop  }
__scs_overlays_trampoline_lowered:
0x8: {  	[smem:$0x3FAE] =	sst s0  }
0x9: {  	[smem:$0x3FAF] =	sst s1  }
0xa: {  	[smem:$0x3FB0] =	sst s2  }
0xb: {  	[smem:$0x3FB1] =	sst s3  }
0xc: {  	[smem:$0x3FB2] =	sst s4  }
0xd: {  	[smem:$0x3FB3] =	sst s5  }
0xe: {  	[smem:$0x3FB4] =	sst s6  }
0xf: {  	[smem:$0x3FB5] =	sst s7  }
0x10: {  	[smem:$0x3FB6] =	sst s8  }
0x11: {  	[smem:$0x3FB7] =	sst s9;
	s0 =	simm.s32 @!p0 $0x0  }
0x12: {  	s1 =	sld [smem:$0x3F9D];
	s0 =	simm.s32 @p0 $0x1  }
0x13: {  	[smem:$0x3FB8] =	sst s0;
	s0 =	simm.s32 @!p1 $0x0  }
0x14: {  	s2 =	sld [smem:$0x3F9C];
	s0 =	simm.s32 @p1 $0x1  }
0x15: {  	[smem:$0x3FB9] =	sst s0;
	s0 =	simm.s32 @!p2 $0x0  }
0x16: {  	s3 =	sld [smem:$0x3FDB];
	s0 =	simm.s32 @p2 $0x1  }
0x17: {  	s4 =	simm.s32 $0x1BF5;
	[smem:$0x3FBB] =	sst s0  }
0x18: {  	s0 =	sld [smem:$0x3F9E];
	_ =	swait.ge [sflag:s4], $0x0  }
0x19: {  	s7 =	sld [smem:$0x3F9F]  }
0x1a: {  	s8 =	sadd.s32 $0xFFFFE003, lr  }
0x1b: {  	s9 =	sadd.s32 $0xFFFFFEF7, lr;
	s5 =	simm.s32 $0xFFFFFFFF;
	p2 =	slt.u32 s8, $0xFFFFF086  }
0x1c: {  	p1 =	slt.u32 s9, $0xF7A;
	s5 =	simm.s32 @!p2 $0x0  }
0x1d: {  	s5 =	simm.s32 @p1 $0x1;
	p0 =	seq.s32 s7, s2  }
0x1e: {  	s7 =	smul.u32 @!p0 $0xF7A, s2;
	p2 =	seq.s32 @!p0 s5, $0x0  }
0x1f: {  	s9 =	smul.u32 $0xF7A, s1;
	s8 =	simm.s32 @!p0 $0x1BF5;
	p2 =	por !p2, p0  }
0x20: {  	[sflag:s8] =	ssyncset.s32 @!p0 $0xFFFFF086;
	s6 =	sadd.s32 @!p0 s3, s7;
	s7 =	simm.s32 @!p0 $0x108  }
0x21: {  	s3 =	sadd.s32 s3, s9;
	s6 =	sadd.s32 @!p0 $0x88, s6;
	s7 =	simm.s32 @p2 $0x1082  }
0x22: {  	[simem:s7], [sflag:s8] =	dma.local @!p0 [hbm:s6], $0xF7A  }
0x23: {  	s9 =	sor.u32 $0xD0000000, s2;
	s6 =	simm.s32 $0x108;
	_ =	swait.ge @!p0 [sflag:s8], $0x0  }
0x24: {  	s3 =	sadd.s32 $0x88, s3;
	s6 =	simm.s32 @!p1 $0x1082;
	[sflag:s4] =	ssyncset.s32 $0xFFFFF086  }
0x25: {  	[simem:s6], [sflag:s4] =	dma.local [hbm:s3], $0xF7A  }
0x26: {  	[smem:$0x3F9F] =	sst s1;
	(tag) =	ssettag s2;
	_ =	strace s9  }
0x27: {  	s1 =	sld [smem:$0x3FAF]  }
0x28: {  	s2 =	sld [smem:$0x3FB0]  }
0x29: {  	s4 =	sld [smem:$0x3FB2]  }
0x2a: {  	p0 =	seq.s32 s5, $0x0;
	s5 =	sld [smem:$0x3FB3]  }
0x2b: {  	s6 =	sld [smem:$0x3FB4]  }
0x2c: {  	s7 =	sld [smem:$0x3FB5]  }
0x2d: {  	s3 =	simm.s32 $0x108;
	s8 =	sld [smem:$0x3FB6]  }
0x2e: {  	s3 =	simm.s32 @!p0 $0x1082;
	s9 =	sld [smem:$0x3FB7]  }
0x2f: {  	lr =	sadd.s32 s0, s3;
	s0 =	sld [smem:$0x3FAE]  }
0x30: {  	s3 =	sld [smem:$0x3FB1]  }
0x31: {  	[smem:$0x3FBA] =	sst s10  }
0x32: {  	s10 =	sld [smem:$0x3FB8];
	_ =	sdelay $0x3  }
0x33: {  	p0 =	seq.s32 s10, $0x1;
	s10 =	sld [smem:$0x3FBA];
	_ =	sdelay $0x3  }
0x34: {  	[smem:$0x3FBA] =	sst s10  }
0x35: {  	s10 =	sld [smem:$0x3FB9];
	_ =	sdelay $0x3  }
0x36: {  	p1 =	seq.s32 s10, $0x1;
	s10 =	sld [smem:$0x3FBA];
	_ =	sdelay $0x3  }
0x37: {  	[smem:$0x3FBA] =	sst s10  }
0x38: {  	s10 =	sld [smem:$0x3FBB]  }
0x39: {  	_ = 	snop;
	(pc) =	sbr.ind lr, $3  }
0x3a: {  	_ = 	snop  }
0x3b: {  	_ = 	snop  }
0x3c: {  	p2 =	seq.s32 s10, $0x1;
	s10 =	sld [smem:$0x3FBA]  }
0x3d: {  	_ =	shalt  }
0x3e: {  	_ =	shalt  }
0x3f: {  	_ =	shalt  }
0x40: {  	_ =	shalt  }
0x41: {  	_ =	shalt  }
0x42: {  	_ =	shalt  }
0x43: {  	_ =	shalt  }
0x44: {  	_ =	shalt  }
0x45: {  	_ =	shalt  }
0x46: {  	_ =	shalt  }
0x47: {  	_ =	shalt  }
0x48: {  	_ =	shalt  }
0x49: {  	_ =	shalt  }
0x4a: {  	_ =	shalt  }
0x4b: {  	_ =	shalt  }
0x4c: {  	_ =	shalt  }
0x4d: {  	_ =	shalt  }
0x4e: {  	_ =	shalt  }
0x4f: {  	_ =	shalt  }
0x50: {  	_ =	shalt  }
0x51: {  	_ =	shalt  }
0x52: {  	_ =	shalt  }
0x53: {  	_ =	shalt  }
0x54: {  	_ =	shalt  }
0x55: {  	_ =	shalt  }
0x56: {  	_ =	shalt  }
0x57: {  	_ =	shalt  }
0x58: {  	_ =	shalt  }
0x59: {  	_ =	shalt  }
0x5a: {  	_ =	shalt  }
0x5b: {  	_ =	shalt  }
0x5c: {  	_ =	shalt  }
0x5d: {  	_ =	shalt  }
0x5e: {  	_ =	shalt  }
0x5f: {  	_ =	shalt  }
0x60: {  	_ =	shalt  }
0x61: {  	_ =	shalt  }
0x62: {  	_ =	shalt  }
0x63: {  	_ =	shalt  }
0x64: {  	_ =	shalt  }
0x65: {  	_ =	shalt  }
0x66: {  	_ =	shalt  }
0x67: {  	_ =	shalt  }
0x68: {  	_ =	shalt  }
0x69: {  	_ =	shalt  }
0x6a: {  	_ =	shalt  }
0x6b: {  	_ =	shalt  }
0x6c: {  	_ =	shalt  }
0x6d: {  	_ =	shalt  }
0x6e: {  	_ =	shalt  }
0x6f: {  	_ =	shalt  }
0x70: {  	_ =	shalt  }
0x71: {  	_ =	shalt  }
0x72: {  	_ =	shalt  }
0x73: {  	_ =	shalt  }
0x74: {  	_ =	shalt  }
0x75: {  	_ =	shalt  }
0x76: {  	_ =	shalt  }
0x77: {  	_ =	shalt  }
0x78: {  	_ =	shalt  }
0x79: {  	_ =	shalt  }
0x7a: {  	_ =	shalt  }
0x7b: {  	_ =	shalt  }
0x7c: {  	_ =	shalt  }
0x7d: {  	_ =	shalt  }
0x7e: {  	_ =	shalt  }
0x7f: {  	_ =	shalt  }
0x80: {  	_ =	shalt  }
0x81: {  	_ =	shalt  }
0x82: {  	_ =	shalt  }
0x83: {  	_ =	shalt  }
0x84: {  	_ =	shalt  }
0x85: {  	_ =	shalt  }
0x86: {  	_ =	shalt  }
0x87: {  	_ =	shalt  }
.Lfunc_end0:
.L_simem_size_0:
called_computation_lowered:
.L_overlay_start_0:
0x88: {  	s2 =	sld [smem:$0x3FD9]  }
0x89: {  	s3 =	sld [smem:$0x3FFE];
	_ =	sdelay $0x1  }
0x8a: {  	s1 =	srdreg.scid  }
0x8b: {  	s0 =	sand.u32 $0x1, s1  }
0x8c: {  	s14 =	sshll.u32 s0, $0xA;
	s2 =	sadd.s32 s3, s2  }
0x8d: {  	s2 =	sadd.s32 s2, s14  }
0x8e: {  	[smem:$0x3FC6] =	sst s2  }
0x8f: {  	_ = 	snop  }
0x90: {  	s2 =	sld [smem:$0x3FD0];
	_ =	sdelay $0x2  }
0x91: {  	s15 =	simm.s32 $0xA;
	s4 =	simm.s32 $0x10  }
0x92: {  	[smem:s4], [sflag:s15] =	dma.local [hbm:s2], $0x1  }
0x93: {  	_ =	swait.eq [sflag:s15], $0x1  }
0x94: {  	[sflag:s15] =	ssyncset.done $0x0  }
0x95: {  	[sflag:s15] =	ssyncadd.s32 $0xFFFFFFFF  }
0x96: {  	s16 =	sld [smem:$0x10];
	(tm) =	ssettm $0x1  }
0x97: {  	s17 =	sld [smem:$0x3FFB];
	_ =	sdelay $0x3  }
0x98: {  	_ =	strace s17  }
0x99: {  	s3 =	sld [smem:$0x3FFC];
	_ =	sdelay $0x3  }
0x9a: {  	_ =	strace s3  }
0x9b: {  	s3 =	sld [smem:$0x3FFD];
	_ =	sdelay $0x3  }
0x9c: {  	_ =	strace s3  }
0x9d: {  	_ =	strace $0x8FFFFFFF  }
0x9e: {  	s18 =	sld [smem:$0x3FDB];
	_ =	sdelay $0x1  }
0x9f: {  	s19 =	simm.s32 $_scs_section_size  }
0xa0: {  	s5 =	simm.s32 $_size__tile_overlayer_lowered;
	s6 =	simm.s32 $_tile_overlayer_lowered  }
0xa1: {  	s22 =	simm.s32 $0x1BFF;
	s21 =	sshll.u32 s6, $0x1;
	s3 =	sadd.s32 s19, s18  }
0xa2: {  	s7 =	simm.s32 $0x0;
	s20 =	sshll.u32 s5, $0x1;
	s5 =	sadd.s32 s21, s3  }
0xa3: {  	[timem:s7], [sflag:s22] =	dma.local [hbm:s5], s20  }
0xa4: {  	_ =	swait.ge [sflag:s22], s20  }
0xa5: {  	s4 =	ssub.s32 $0x0, s20;
	[sflag:s22] =	ssyncset.done $0x0  }
0xa6: {  	[sflag:s22] =	ssyncadd.s32 s4;
	_ =	sdelay $0x1  }
0xa7: {  	s23 =	simm.s32 $0x1B8B  }
0xa8: {  	_ =	swait.ge [sflag:s23], $0x1  }
0xa9: {  	[sflag:s23] =	ssyncset.done $0x0  }
0xaa: {  	s25 =	simm.s32 $0x1B8E;
	s24 =	sld [smem:$0x3FFE];
	[sflag:s23] =	ssyncadd.s32 $0xFFFFFFFF  }
0xab: {  	s26 =	simm.s32 $execute0_lowered;
	[smem:$0x3FD2] =	sst s25  }
0xac: {  	s5 =	sshll.u32 s26, $0x1;
	_ =	strace $0x80000046;
	[dreg:$0x1] =	wrdreg $0xFFFFFFFF  }
0xad: {  	s28 =	simm.s32 $_size_execute0_lowered;
	s3 =	sadd.s32 s3, s5;
	[dreg:$0x0] =	wrdreg $0x0  }
0xae: {  	s5 =	sshll.u32 s28, $0x1;
	[dreg:$0x2] =	wrdreg s3  }
0xaf: {  	[dreg:$0x3] =	wrdreg s5  }
0xb0: {  	[dreg:$0x4] =	wrdreg $0xC0  }
0xb1: {  	_ =	task [dreg:s7], $0x5FFFF  }
0xb2: {  	[dreg:$0x1] =	wrdreg $0xFFFFFFFF  }
0xb3: {  	[dreg:$0x0] =	wrdreg $0x60  }
0xb4: {  	[dreg:$0x2] =	wrdreg s16  }
0xb5: {  	[dreg:$0x3] =	wrdreg s24  }
0xb6: {  	[dreg:$0x4] =	wrdreg $0x9  }
0xb7: {  	_ =	task.clear_ibuf [dreg:s7], $0x5FFFF;
	_ =	strace $0x90000046  }
0xb8: {  	s29 =	simm.s32 $0x9;
	_ =	strace $0x80000048  }
0xb9: {  	_ =	swait.ge [sflag:s29], $0x1  }
0xba: {  	[sflag:s29] =	ssyncadd.s32 $0xFFFFFFFF  }
0xbb: {  	_ =	strace $0x90000048  }
0xbc: {  	_ =	sfence  }
0xbd: {  	s30 =	sld [smem:$0x0];
	_ =	sdelay $0x2  }
0xbe: {  	s31 =	sshll.u32 s1, $0xD;
	s1 =	sshrl.u32 s1, $0x2  }
0xbf: {  	s3 =	sand.u32 $0x4000, s31;
	s1 =	sadd.s32 s1, s30  }
0xc0: {  	s0 =	sor.u32 s3, s0;
	s1 =	sshll.u32 s1, $0x11  }
0xc1: {  	s0 =	sor.u32 s1, s0  }
0xc2: {  	s0 =	sadd.s32 $0x8F2B, s0  }
0xc3: {  	[sflag:s0] =	ssyncadd.remote.s32 $0x1  }
0xc4: {  	_ =	sfence.sel $0xFFFF  }
0xc5: {  	[dreg:$0x0] =	wrdreg $0xFFFFFFFF;
	(pc) =	sbr.abs _section_cstart, $3  }
0xc6: {  	[dreg:$0x1] =	wrdreg $0xFFFFFFFF  }
0xc7: {  	_ =	task.clear_ibuf [dreg:s7], $0x2FFFF;
	_ =	strace $0x9FFFFFFF  }
0xc8: {  	(tm) =	ssettm $0x7FFFFFFF  }
0xc9: {  	_ =	shalt  }
tec
execute0_lowered:
.L_overlay_start_1:
0x0: {  	(tag) =	ssettag $0x1  }
0x1: {  	s1 =	rddreg [dreg:$0x0]  }
0x2: {  	s8 =	rddreg [dreg:$0x1]  }
0x3: {  	s0 =	rddreg [dreg:$0x2];
	s3 =	simm.s32 $0x0;
	s4 =	srdreg.scid  }
0x4: {  	s2 =	stileid.u32;
	s15 =	simm.s32 $0x8100;
	s16 =	simm.s32 $0x10100  }
0x5: {  	s17 =	simm.s32 $0x0;
	[smem:$0x7FF] =	sst s3;
	s4 =	sand.u32 $0x1, s4  }
0x6: {  	s5 =	sshll.u32 s2, $0x1;
	s7 =	sadd.s32 $0x40000, s8;
	s9 =	sadd.s32 $0x40800, s8  }
0x7: {  	_ =	strace $0x80000047;
	s5 =	sor.u32 s4, s5;
	s4 =	ssub.s32 $0x2, s4  }
0x8: {  	s6 =	sshll.u32 s5, $0x4;
	s29 =	sshrl.u32 s4, $0x1;
	s30 =	sshll.u32 s5, $0x9  }
0x9: {  	s31 =	sshll.u32 s5, $0x6;
	s12 =	sshll.u32 s5, $0xD;
	s10 =	sadd.s32 s6, s8  }
0xa: {  	s11 =	ssub.s32 s4, s29;
	s4 =	sadd.s32 s7, s31;
	s6 =	sor.u32 $0x100, s30  }
0xb: {  	s5 =	sadd.s32 s8, s12;
	s13 =	sshrl.u32 s6, $0x3;
	s14 =	sshll.u32 s6, $0x4  }
0xc: {  	s6 =	sadd.s32 s9, s12;
	s10 =	sadd.s32 $0x80800, s10;
	s11 =	smax.u32 s11, $0x1  }
0xd: {  	s12 =	simm.s32 $0x2;
	s7 =	sadd.s32 s7, s13;
	s8 =	sadd.s32 s8, s14  }
0xe: {  	s9 =	sadd.s32 s9, s14;
	s13 =	simm.s32 $0x100;
	s14 =	simm.s32 $0x1  }
.LBB2_1:
0xf: {  	[tilespmem:s3], [sflag:$0x2] =	stream.linear.gather [hbm4b:s4+s3], $0x100, $0x38;
	[tilespmem:$0x10180] =	vst v63  }
0x10: {  	_ =	swait.ge [sflag:s12], $0x100  }
0x11: {  	[sflag:s12] =	ssyncset.done $0x0  }
0x12: {  	[sflag:s12] =	ssyncadd.s32 $0xFFFFFF00  }
0x13: {  	[tilespmem:s13], [sflag:$0x1] =	stream.indirect.gather [hbm4b:s1+s13], $0x80, s3, s13, $0xb8;
	[tilespmem:$0x10180] =	vst v63  }
0x14: {  	_ =	swait.ge [sflag:s14], $0x8000  }
0x15: {  	[sflag:s14] =	ssyncset.done $0x0  }
0x16: {  	[sflag:s14] =	ssyncadd.s32 $0xFFFF8000  }
0x17: {  	[tilespmem:s15], [sflag:$0x2] =	stream.linear.gather [hbm4b:s5+s3], $0x8000, $0x38;
	[tilespmem:$0x10180] =	vst v63  }
0x18: {  	_ =	swait.ge [sflag:s12], $0x8000  }
0x19: {  	[sflag:s12] =	ssyncset.done $0x0  }
0x1a: {  	s18 =	simm.s32 $0x0;
	[sflag:s12] =	ssyncadd.s32 $0xFFFF8000  }
0x1b: {  	v6 =	vld [tilespmem:s18+$0x100]  }
0x1c: {  	v7 =	vld [tilespmem:s18+$0x110]  }
0x1d: {  	v5 =	vld [tilespmem:s18+$0x120]  }
0x1e: {  	v4 =	vld [tilespmem:s18+$0x130]  }
0x1f: {  	v9 =	vld [tilespmem:s18+$0x8100]  }
0x20: {  	v0 =	vimm.f32 $0.0e+00;
	v10 =	vld [tilespmem:s18+$0x8110]  }
0x21: {  	s19 =	simm.s32 $0x200;
	v3 =	vimm.f32 $0.0e+00;
	v1 =	vimm.f32 $0.0e+00;
	v2 =	vimm.f32 $0.0e+00;
	v8 =	vld [tilespmem:s18+$0x8120]  }
.LBB2_2:
0x22: {  	p0 =	sne.s32 s19, $0x1FE00;
	v11 =	vld [tilespmem:s18+$0x8130];
	_ =	sdelay $0x1  }
0x23: {  	s20 =	sshra.s32 s19, $0x2;
	v12 =	vsub.f32 v6, v9  }
0x24: {  	v6 =	vld [tilespmem:s20+$0x100];
	v13 =	vsub.f32 v7, v10  }
0x25: {  	v7 =	vld [tilespmem:s20+$0x110];
	v9 =	vadd.f32 v12, v9;
	v12 =	vmul.f32 v12, v12;
	v14 =	vsub.f32 v5, v8  }
.Ltmp0:
0x26: {  	v5 =	vld [tilespmem:s20+$0x120];
	v10 =	vadd.f32 v13, v10;
	v13 =	vmul.f32 v13, v13;
	v15 =	vsub.f32 v4, v11;
	(pc) =	sbr.rel @p0 .LBB2_2-.Ltmp0, $4  }
0x27: {  	v4 =	vld [tilespmem:s20+$0x130];
	[tilespmem:s18+$0x8100] =	vst v9;
	v0 =	vadd.f32 v12, v0;
	v8 =	vadd.f32 v14, v8;
	v12 =	vmul.f32 v14, v14  }
0x28: {  	v9 =	vld [tilespmem:s20+$0x8100];
	[tilespmem:s18+$0x8110] =	vst v10;
	v3 =	vadd.f32 v13, v3;
	v11 =	vadd.f32 v15, v11;
	v13 =	vmul.f32 v15, v15  }
0x29: {  	v10 =	vld [tilespmem:s20+$0x8110];
	[tilespmem:s18+$0x8120] =	vst v8;
	v1 =	vadd.f32 v12, v1  }
0x2a: {  	s19 =	sadd.s32 $0x200, s19;
	v8 =	vld [tilespmem:s20+$0x8120];
	[tilespmem:s18+$0x8130] =	vst v11;
	v2 =	vadd.f32 v13, v2;
	s18 =	smov.u32 s20  }
0x2b: {  	v11 =	vld [tilespmem:s18+$0x8130];
	_ =	sdelay $0x1  }
0x2c: {  	v12 =	vsub.f32 v6, v9  }
0x2d: {  	v13 =	vsub.f32 v7, v10  }
0x2e: {  	v6 =	vadd.f32 v12, v9;
	v5 =	vsub.f32 v5, v8  }
0x2f: {  	v7 =	vadd.f32 v13, v10;
	v9 =	vsub.f32 v4, v11  }
0x30: {  	[tilespmem:s18+$0x8100] =	vst v6;
	v4 =	vadd.f32 v5, v8  }
0x31: {  	[tilespmem:s18+$0x8110] =	vst v7;
	v6 =	vadd.f32 v9, v11  }
0x32: {  	[tilespmem:s18+$0x8120] =	vst v4  }
0x33: {  	s31 =	simm.s32 $0x0;
	[tilespmem:s18+$0x8130] =	vst v6  }
0x34: {  	[hbm4b:s6+s31] =	stream.linear.scatter [tilespmem:s15], [sflag:$0x2], $0x8000, $0x38;
	[tilespmem:$0x10180] =	vst v63  }
0x35: {  	_ =	swait.ge [sflag:s12], $0x8000  }
0x36: {  	[sflag:s12] =	ssyncset.done $0x0  }
0x37: {  	[sflag:s12] =	ssyncadd.s32 $0xFFFF8000  }
0x38: {  	[tilespmem:s31], [sflag:$0x2] =	stream.linear.gather [hbm4b:s7+s31], $0x100, $0x38;
	[tilespmem:$0x10180] =	vst v63  }
0x39: {  	_ =	swait.ge [sflag:s12], $0x100  }
0x3a: {  	[sflag:s12] =	ssyncset.done $0x0  }
0x3b: {  	[sflag:s12] =	ssyncadd.s32 $0xFFFFFF00  }
0x3c: {  	[tilespmem:s13], [sflag:$0x1] =	stream.indirect.gather [hbm4b:s1+s13], $0x80, s31, s13, $0xb8;
	[tilespmem:$0x10180] =	vst v63  }
0x3d: {  	_ =	swait.ge [sflag:s14], $0x8000  }
0x3e: {  	[sflag:s14] =	ssyncset.done $0x0  }
0x3f: {  	[sflag:s14] =	ssyncadd.s32 $0xFFFF8000  }
0x40: {  	[tilespmem:s15], [sflag:$0x2] =	stream.linear.gather [hbm4b:s8+s31], $0x8000, $0x38;
	[tilespmem:$0x10180] =	vst v63  }
0x41: {  	_ =	swait.ge [sflag:s12], $0x8000  }
0x42: {  	[sflag:s12] =	ssyncset.done $0x0  }
0x43: {  	s18 =	simm.s32 $0x0;
	[sflag:s12] =	ssyncadd.s32 $0xFFFF8000  }
0x44: {  	v6 =	vld [tilespmem:s18+$0x100]  }
0x45: {  	v7 =	vld [tilespmem:s18+$0x110]  }
0x46: {  	v4 =	vld [tilespmem:s18+$0x120]  }
0x47: {  	v10 =	vmul.f32 v12, v12;
	v62 =	vmul.f32 v5, v5;
	v8 =	vld [tilespmem:s18+$0x130]  }
0x48: {  	v11 =	vmul.f32 v13, v13;
	v63 =	vmul.f32 v9, v9;
	v9 =	vld [tilespmem:s18+$0x8100]  }
0x49: {  	v5 =	vadd.f32 v10, v0;
	v0 =	vadd.f32 v62, v1;
	v10 =	vld [tilespmem:s18+$0x8110]  }
0x4a: {  	s19 =	simm.s32 $0x200;
	v3 =	vadd.f32 v11, v3;
	v1 =	vadd.f32 v63, v2;
	v2 =	vld [tilespmem:s18+$0x8120]  }
.LBB2_4:
0x4b: {  	p0 =	sne.s32 s19, $0x1FE00;
	v11 =	vld [tilespmem:s18+$0x8130];
	_ =	sdelay $0x1  }
0x4c: {  	s20 =	sshra.s32 s19, $0x2;
	v12 =	vsub.f32 v6, v9  }
0x4d: {  	v6 =	vld [tilespmem:s20+$0x100];
	v13 =	vsub.f32 v7, v10  }
0x4e: {  	v7 =	vld [tilespmem:s20+$0x110];
	v9 =	vadd.f32 v12, v9;
	v12 =	vmul.f32 v12, v12;
	v14 =	vsub.f32 v4, v2  }
.Ltmp1:
0x4f: {  	v4 =	vld [tilespmem:s20+$0x120];
	v10 =	vadd.f32 v13, v10;
	v13 =	vmul.f32 v13, v13;
	v15 =	vsub.f32 v8, v11;
	(pc) =	sbr.rel @p0 .LBB2_4-.Ltmp1, $4  }
0x50: {  	v8 =	vld [tilespmem:s20+$0x130];
	[tilespmem:s18+$0x8100] =	vst v9;
	v5 =	vadd.f32 v12, v5;
	v2 =	vadd.f32 v14, v2;
	v12 =	vmul.f32 v14, v14  }
0x51: {  	v9 =	vld [tilespmem:s20+$0x8100];
	[tilespmem:s18+$0x8110] =	vst v10;
	v3 =	vadd.f32 v13, v3;
	v11 =	vadd.f32 v15, v11;
	v13 =	vmul.f32 v15, v15  }
0x52: {  	v10 =	vld [tilespmem:s20+$0x8110];
	[tilespmem:s18+$0x8120] =	vst v2;
	v0 =	vadd.f32 v12, v0  }
0x53: {  	s19 =	sadd.s32 $0x200, s19;
	v2 =	vld [tilespmem:s20+$0x8120];
	[tilespmem:s18+$0x8130] =	vst v11;
	v1 =	vadd.f32 v13, v1;
	s18 =	smov.u32 s20  }
0x54: {  	v11 =	vld [tilespmem:s18+$0x8130];
	_ =	sdelay $0x1  }
0x55: {  	v6 =	vsub.f32 v6, v9;
	_ =	sdelay $0x1  }
0x56: {  	v7 =	vsub.f32 v7, v10;
	v9 =	vadd.f32 v6, v9;
	v6 =	vmul.f32 v6, v6  }
0x57: {  	v4 =	vsub.f32 v4, v2;
	v8 =	vsub.f32 v8, v11  }
0x58: {  	v10 =	vadd.f32 v7, v10;
	v7 =	vmul.f32 v7, v7;
	v5 =	vadd.f32 v6, v5  }
0x59: {  	[tilespmem:s18+$0x8100] =	vst v9;
	v2 =	vadd.f32 v4, v2;
	v4 =	vmul.f32 v4, v4;
	v61 =	vmul.f32 v8, v8  }
0x5a: {  	[tilespmem:s18+$0x8110] =	vst v10;
	v3 =	vadd.f32 v7, v3;
	v62 =	vadd.f32 v8, v11  }
0x5b: {  	[tilespmem:s18+$0x8120] =	vst v2;
	v0 =	vadd.f32 v4, v0;
	v1 =	vadd.f32 v61, v1  }
0x5c: {  	[tilespmem:s18+$0x8130] =	vst v62  }
0x5d: {  	v63 =	vadd.f32 v3, v5;
	[hbm4b:s9+s3] =	stream.linear.scatter [tilespmem:s15], [sflag:$0x2], $0x8000, $0x38;
	v0 =	vadd.f32 v1, v0;
	[tilespmem:$0x10180] =	vst v63  }
0x5e: {  	_ =	swait.ge [sflag:s12], $0x8000  }
0x5f: {  	s17 =	sadd.s32 $0x1, s17;
	[sflag:s12] =	ssyncset.done $0x0;
	v0 =	vadd.f32 v0, v63  }
0x60: {  	p0 =	sne.s32 s17, s11;
	[sflag:s12] =	ssyncadd.s32 $0xFFFF8000  }
.Ltmp2:
0x61: {  	[tilespmem:$0x10100] =	vst v0;
	(pc) =	sbr.rel @p0 .LBB2_1-.Ltmp2, $4  }
0x62: {  	[hbm4b:s10+s3] =	stream.linear.scatter [tilespmem:s16], [sflag:$0x2], $0x80, $0x38;
	[tilespmem:$0x10180] =	vst v63  }
0x63: {  	_ =	swait.ge [sflag:s12], $0x80  }
0x64: {  	[sflag:s12] =	ssyncset.done $0x0  }
0x65: {  	[sflag:s12] =	ssyncadd.s32 $0xFFFFFF80  }
0x66: {  	_ =	sfence.sel $0x180000  }
0x67: {  	[bflag:$0x0] =	sbarrier.arrive $0xFFFF  }
0x68: {  	p0 =	sne.s32 s2, $0x0;
	_ =	strace $0x90000047  }
0x69: {  	s0 =	sadd.s32 @!p0 $0x100000, s0;
	[bflag:$0x2] =	sbarrier.arrive $0xFFFF  }
0x6a: {  	[sflag:s0] =	ssyncadd.tile.s32 @!p0 $0x1;
	_ =	shalt  }
.Lfunc_end2:
_tile_overlayer_lowered:
.L_overlay_start_2:
0x6b: {  	(tag) =	ssettag $0x2  }
0x6c: {  	s0 =	rddreg [dreg:$0x0];
	s2 =	stileid.u32  }
0x6d: {  	s1 =	rddreg [dreg:$0x1];
	p0 =	sne.s32 s2, $0x0  }
0x6e: {  	s3 =	rddreg [dreg:$0x2];
	[bflag:$0x3] =	sbarrier.arrive $0xFFFF;
	s2 =	simm.s32 @!p0 $0x1C02  }
0x6f: {  	[timem:s3], [sflag:s2] =	dma.local @!p0 [hbm:s0], s1  }
0x70: {  	s0 =	simm.s32 @!p0 $0x2  }
0x71: {  	_ =	swait.ge @!p0 [sflag:s0], s1  }
0x72: {  	s1 =	ssub.s32 @!p0 $0x0, s1;
	[sflag:s0] =	ssyncset.done @!p0 $0x0  }
0x73: {  	[sflag:s0] =	ssyncadd.s32 @!p0 s1  }
0x74: {  	[bflag:$0x3] =	sbarrier.arrive $0xFFFF  }
0x75: {  	_ =	shalt  }

</sc_bundles>
